<compile_context>
chip_gen: v7x
topology: tpu7x:2x2x1
jax: 0.10.2.dev20260603
libtpu: 0.0.44.dev20260713+nightly
codegen_flags: <defaults>
</compile_context>

<pallas_src>
import functools

import jax
import jax.numpy as jnp
from jax.experimental import pallas as pl
from jax.experimental.pallas import tpu as pltpu
from jax.experimental.pallas import tpu_sc as plsc

_CHUNK = 256
_NW = 32
_RBLK = 8192
_LBLK = 2
_SCHUNKS = 1

_TC_PARAMS = pltpu.CompilerParams(dimension_semantics=("parallel",))


def _tc_prep(emb_t, eye):
    d, v = emb_t.shape

    def prep_kernel(x_ref, i_ref, o_ref):
        xt = jax.lax.dot_general(
            x_ref[...],
            i_ref[...],
            (((0,), (0,)), ((), ())),
            preferred_element_type=jnp.float32,
        )
        o_ref[:, :d] = xt

    return pl.pallas_call(
        prep_kernel,
        grid=(pl.cdiv(v, _RBLK),),
        in_specs=[
            pl.BlockSpec((d, _RBLK), lambda i: (0, i)),
            pl.BlockSpec((d, d), lambda i: (0, 0)),
        ],
        out_specs=pl.BlockSpec((_RBLK, 2 * d), lambda i: (i, 0)),
        out_shape=jax.ShapeDtypeStruct((v, 2 * d), jnp.float32),
        compiler_params=_TC_PARAMS,
    )(emb_t, eye)


def _sc_gather(table_dup, idx_part):
    n = idx_part.shape[0]
    d2 = table_dup.shape[1]
    mesh = plsc.VectorSubcoreMesh(core_axis_name="core", subcore_axis_name="subcore")
    b_per_w = n // _NW
    n_chunks = pl.cdiv(b_per_w, _CHUNK)

    @functools.partial(
        pl.kernel,
        out_type=jax.ShapeDtypeStruct((n, d2), jnp.float32),
        mesh=mesh,
        scratch_types=[
            pltpu.VMEM((b_per_w,), jnp.int32),
            pltpu.VMEM((_CHUNK, d2), jnp.float32),
            pltpu.VMEM((_CHUNK, d2), jnp.float32),
            pltpu.SemaphoreType.DMA,
            pltpu.SemaphoreType.DMA,
        ],
    )
    def gather_kernel(x_hbm, i_hbm, o_hbm, idx_v, rows_a, rows_b, sem_a, sem_b):
        wid = jax.lax.axis_index("subcore") * 2 + jax.lax.axis_index("core")
        base = wid * b_per_w
        pltpu.sync_copy(i_hbm.at[pl.ds(base, b_per_w)], idx_v)

        def gather_desc(c, rows, sem):
            return pltpu.make_async_copy(
                x_hbm.at[idx_v.at[pl.ds(c * _CHUNK, _CHUNK)]], rows, sem
            )

        def write_out(c, rows):
            pltpu.sync_copy(rows, o_hbm.at[pl.ds(base + c * _CHUNK, _CHUNK)])

        gather_desc(0, rows_a, sem_a).start()

        @pl.loop(0, n_chunks, step=2)
        def _(c):
            @pl.when(c + 1 < n_chunks)
            def _():
                gather_desc(c + 1, rows_b, sem_b).start()

            gather_desc(c, rows_a, sem_a).wait()
            write_out(c, rows_a)

            @pl.when(c + 2 < n_chunks)
            def _():
                gather_desc(c + 2, rows_a, sem_a).start()

            @pl.when(c + 1 < n_chunks)
            def _():
                gather_desc(c + 1, rows_b, sem_b).wait()
                write_out(c + 1, rows_b)

    return gather_kernel(table_dup, idx_part)


def _tc_project_t(g, W, b_col, out_prev, l_base, seqlen, bsz):
    n, d2 = g.shape
    d = W.shape[0]
    rows_blk = _LBLK * bsz
    blk_base = l_base // _LBLK

    def mm_kernel(g_ref, w_ref, b_ref, *rest):
        o_ref = rest[-1]
        x = g_ref[:, :d]
        bias = b_ref[...]
        for j in range(_LBLK):
            xj = x[j * bsz : (j + 1) * bsz, :]
            yj = jax.lax.dot_general(
                w_ref[...],
                xj,
                (((0,), (1,)), ((), ())),
                preferred_element_type=jnp.float32,
            )
            o_ref[j] = yj + bias

    in_specs = [
        pl.BlockSpec((rows_blk, d2), lambda i: (i, 0)),
        pl.BlockSpec((d, d), lambda i: (0, 0)),
        pl.BlockSpec((d, 1), lambda i: (0, 0)),
    ]
    args = [g, W, b_col]
    io_aliases = {}
    if out_prev is not None:
        in_specs.append(pl.BlockSpec(memory_space=pl.ANY))
        args.append(out_prev)
        io_aliases = {3: 0}

    return pl.pallas_call(
        mm_kernel,
        grid=(n // rows_blk,),
        in_specs=in_specs,
        out_specs=pl.BlockSpec(
            (_LBLK, d, bsz), lambda i: (blk_base + i, 0, 0)
        ),
        out_shape=jax.ShapeDtypeStruct((seqlen, d, bsz), jnp.float32),
        input_output_aliases=io_aliases,
        compiler_params=_TC_PARAMS,
    )(*args)


def kernel(input_ids, attention_mask, embedding, W, b):
    del attention_mask
    bsz, seqlen = input_ids.shape
    n = bsz * seqlen
    idx_lmajor = input_ids.T.reshape(n)
    emb_t = embedding.T
    table_dup = _tc_prep(emb_t, jnp.eye(embedding.shape[1], dtype=jnp.float32))
    b_col = b.reshape(W.shape[0], 1)

    n_s = n // _SCHUNKS
    l_s = seqlen // _SCHUNKS
    out = None
    for s in range(_SCHUNKS):
        g_s = _sc_gather(table_dup, idx_lmajor[s * n_s : (s + 1) * n_s])
        out = _tc_project_t(g_s, W, b_col, out, s * l_s, seqlen, bsz)
    return jnp.transpose(out, (2, 0, 1))

# --- scband reference (transcript-rebuilt; emitter-appended) ---
"""Pipeline reference for scband-toy-backbone-60146722013857 (READ-ONLY COPY).

The authoritative reference and input builder live on the scoring server;
editing this copy changes nothing except your own understanding.
"""

import jax, jax.numpy as jnp
import numpy as np

VOCAB = 1000000
HIDDEN = 64
B = 4096
L = 200


def setup_inputs(seed: int = 0) -> dict:
    key = jax.random.key(seed)
    k_ids, k_emb, k_w, k_b = jax.random.split(key, 4)
    input_ids = jax.random.randint(k_ids, (B, L), 0, VOCAB, dtype=jnp.int64 if jax.config.jax_enable_x64 else jnp.int32).astype(jnp.int32)
    attention_mask = jnp.ones((B, L), dtype=jnp.int32)
    embedding = jax.random.normal(k_emb, (VOCAB, HIDDEN), dtype=jnp.float32)
    W = jax.random.normal(k_w, (HIDDEN, HIDDEN), dtype=jnp.float32) * (1.0 / np.sqrt(HIDDEN))
    b = jax.random.normal(k_b, (HIDDEN,), dtype=jnp.float32) * 0.01
    return {"input_ids": input_ids, "attention_mask": attention_mask, "embedding": embedding, "W": W, "b": b}


def reference(input_ids, attention_mask, embedding, W, b):
    # ToyBackbone.forward: attention_mask is discarded
    emb = jnp.take(embedding, input_ids, axis=0)  # [B, L, HIDDEN] gather
    hidden = jnp.dot(emb, W) + b  # nn.Linear
    return hidden

if __name__ == "__main__":
    import jax
    _d = setup_inputs()
    print(jax.jit(kernel)(*tuple(_d.values())))

</pallas_src>

<mosaic_0001>
#map = affine_map<(d0, d1) -> (0, 0)>
#map1 = affine_map<(d0, d1) -> (0)>
module attributes {stable_mosaic.version = 14 : i64} {
  func.func @gather_kernel(%arg0: i32, %arg1: i32, %arg2: memref<1000000x128xf32, #tpu.memory_space<hbm>>, %arg3: memref<819200xi32, #tpu.memory_space<hbm>>, %arg4: memref<819200x128xf32, #tpu.memory_space<hbm>>, %arg5: memref<25600xi32, #tpu.memory_space<vmem>>, %arg6: memref<256x128xf32, #tpu.memory_space<vmem>>, %arg7: memref<256x128xf32, #tpu.memory_space<vmem>>, %arg8: memref<!tpu.dma_semaphore, #tpu.memory_space<semaphore_mem>>, %arg9: memref<!tpu.dma_semaphore, #tpu.memory_space<semaphore_mem>>) attributes {dimension_semantics = [#tpu.dimension_semantics<core_parallel>, #tpu.dimension_semantics<subcore_parallel>], iteration_bounds = array<i64: 2, 16>, scalar_prefetch = 0 : i64, scratch_operands = 5 : i64, tpu.core_type = #tpu.core_type<sc_vector_subcore>, window_params = [{transform_indices = #map}, {transform_indices = #map1}, {transform_indices = #map}]} {
    %mul3A = arith.constant 2 : i32
    %mul3A_0 = arith.muli %arg1, %mul3A : i32
    %add3A = arith.addi %mul3A_0, %arg0 : i32
    %mul3A_1 = arith.constant 25600 : i32
    %mul3A_2 = arith.muli %add3A, %mul3A_1 : i32
    "tpu.region"() ({
      %run_scoped3A = tpu.sem_alloc : memref<!tpu.dma_semaphore, #tpu.memory_space<semaphore_mem>>
      %dma_start3A_11 = tpu.memref_slice %arg3[%mul3A_2] : memref<819200xi32, #tpu.memory_space<hbm>> -> memref<25600xi32, #tpu.memory_space<hbm>>
      %dma_start3A_12 = tpu.memref_slice %arg3[%mul3A_2] : memref<819200xi32, #tpu.memory_space<hbm>> -> memref<25600xi32, #tpu.memory_space<hbm>>
      tpu.enqueue_dma source(%dma_start3A_12 : memref<25600xi32, #tpu.memory_space<hbm>>) target(%arg5 : memref<25600xi32, #tpu.memory_space<vmem>>) target_semaphore(%run_scoped3A : memref<!tpu.dma_semaphore, #tpu.memory_space<semaphore_mem>>)
      %dma_wait3A = tpu.memref_slice %arg3[%mul3A_2] : memref<819200xi32, #tpu.memory_space<hbm>> -> memref<25600xi32, #tpu.memory_space<hbm>>
      %dma_wait3A_13 = tpu.memref_slice %arg3[%mul3A_2] : memref<819200xi32, #tpu.memory_space<hbm>> -> memref<25600xi32, #tpu.memory_space<hbm>>
      tpu.wait_dma2 semaphore(%run_scoped3A : memref<!tpu.dma_semaphore, #tpu.memory_space<semaphore_mem>>) src(%dma_wait3A_13 : memref<25600xi32, #tpu.memory_space<hbm>>) dst(%arg5 : memref<25600xi32, #tpu.memory_space<vmem>>)
      tpu.yield
    }) : () -> ()
    %dma_start3A = arith.constant 0 : i32
    %dma_start3A_3 = tpu.memref_slice %arg5[%dma_start3A] : memref<25600xi32, #tpu.memory_space<vmem>> -> memref<256xi32, #tpu.memory_space<vmem>>
    %dma_start3A_4 = arith.constant 0 : i32
    %dma_start3A_5 = arith.constant 0 : i32
    %dma_start3A_6 = tpu.memref_slice %arg2[%dma_start3A_4, %dma_start3A_5] : memref<1000000x128xf32, #tpu.memory_space<hbm>> -> memref<1000000x128xf32, #tpu.memory_space<hbm>>
    tpu.enqueue_indirect_dma source(%dma_start3A_6 : memref<1000000x128xf32, #tpu.memory_space<hbm>>) target(%arg6 : memref<256x128xf32, #tpu.memory_space<vmem>>) offsets(%dma_start3A_3 : memref<256xi32, #tpu.memory_space<vmem>>) semaphore(%arg8 : memref<!tpu.dma_semaphore, #tpu.memory_space<semaphore_mem>>)
    %scan3A = arith.constant 0 : i32
    %scan3A_7 = arith.constant 50 : i32
    %scan3A_8 = arith.addi %scan3A, %scan3A_7 : i32
    %scan3A_9 = arith.constant 1 : i32
    scf.for %scan3A_11 = %scan3A to %scan3A_8 step %scan3A_9  : i32 {
      %mul3A_12 = arith.constant 2 : i32
      %mul3A_13 = arith.muli %scan3A_11, %mul3A_12 : i32
      %add3A_14 = arith.constant 0 : i32
      %add3A_15 = arith.addi %add3A_14, %mul3A_13 : i32
      %add3A_16 = arith.constant 1 : i32
      %add3A_17 = arith.addi %add3A_15, %add3A_16 : i32
      %lt3A = arith.constant 100 : i32
      %lt3A_18 = arith.cmpi slt, %add3A_17, %lt3A : i32
      %convert_element_type3A = arith.extui %lt3A_18 : i1 to i32
      %cond3A = arith.constant 0 : i32
      %cond3A_19 = arith.cmpi ne, %convert_element_type3A, %cond3A : i32
      scf.if %cond3A_19 {
        %add3A_42 = arith.constant 1 : i32
        %add3A_43 = arith.addi %add3A_15, %add3A_42 : i32
        %mul3A_44 = arith.constant 256 : i32
        %mul3A_45 = arith.muli %add3A_43, %mul3A_44 : i32
        %dma_start3A_46 = tpu.memref_slice %arg5[%mul3A_45] : memref<25600xi32, #tpu.memory_space<vmem>> -> memref<256xi32, #tpu.memory_space<vmem>>
        %dma_start3A_47 = arith.constant 0 : i32
        %dma_start3A_48 = arith.constant 0 : i32
        %dma_start3A_49 = tpu.memref_slice %arg2[%dma_start3A_47, %dma_start3A_48] : memref<1000000x128xf32, #tpu.memory_space<hbm>> -> memref<1000000x128xf32, #tpu.memory_space<hbm>>
        tpu.enqueue_indirect_dma source(%dma_start3A_49 : memref<1000000x128xf32, #tpu.memory_space<hbm>>) target(%arg7 : memref<256x128xf32, #tpu.memory_space<vmem>>) offsets(%dma_start3A_46 : memref<256xi32, #tpu.memory_space<vmem>>) semaphore(%arg9 : memref<!tpu.dma_semaphore, #tpu.memory_space<semaphore_mem>>)
      } else {
      }
      %mul3A_20 = arith.constant 256 : i32
      %mul3A_21 = arith.muli %add3A_15, %mul3A_20 : i32
      %dma_wait3A = tpu.memref_slice %arg5[%mul3A_21] : memref<25600xi32, #tpu.memory_space<vmem>> -> memref<256xi32, #tpu.memory_space<vmem>>
      %dma_wait3A_22 = arith.constant 0 : i32
      %dma_wait3A_23 = arith.constant 0 : i32
      %dma_wait3A_24 = tpu.memref_slice %arg2[%dma_wait3A_22, %dma_wait3A_23] : memref<1000000x128xf32, #tpu.memory_space<hbm>> -> memref<1000000x128xf32, #tpu.memory_space<hbm>>
      tpu.wait_indirect_dma semaphore(%arg8 : memref<!tpu.dma_semaphore, #tpu.memory_space<semaphore_mem>>) src(%dma_wait3A_24 : memref<1000000x128xf32, #tpu.memory_space<hbm>>) dst(%arg6 : memref<256x128xf32, #tpu.memory_space<vmem>>)
      %mul3A_25 = arith.constant 256 : i32
      %mul3A_26 = arith.muli %add3A_15, %mul3A_25 : i32
      %add3A_27 = arith.addi %mul3A_2, %mul3A_26 : i32
      "tpu.region"() ({
        %run_scoped3A = tpu.sem_alloc : memref<!tpu.dma_semaphore, #tpu.memory_space<semaphore_mem>>
        %dma_start3A_42 = arith.constant 0 : i32
        %dma_start3A_43 = tpu.memref_slice %arg4[%add3A_27, %dma_start3A_42] : memref<819200x128xf32, #tpu.memory_space<hbm>> -> memref<256x128xf32, #tpu.memory_space<hbm>>
        %dma_start3A_44 = arith.constant 0 : i32
        %dma_start3A_45 = tpu.memref_slice %arg4[%add3A_27, %dma_start3A_44] : memref<819200x128xf32, #tpu.memory_space<hbm>> -> memref<256x128xf32, #tpu.memory_space<hbm>>
        tpu.enqueue_dma source(%arg6 : memref<256x128xf32, #tpu.memory_space<vmem>>) target(%dma_start3A_45 : memref<256x128xf32, #tpu.memory_space<hbm>>) target_semaphore(%run_scoped3A : memref<!tpu.dma_semaphore, #tpu.memory_space<semaphore_mem>>)
        %dma_wait3A_46 = arith.constant 0 : i32
        %dma_wait3A_47 = tpu.memref_slice %arg4[%add3A_27, %dma_wait3A_46] : memref<819200x128xf32, #tpu.memory_space<hbm>> -> memref<256x128xf32, #tpu.memory_space<hbm>>
        %dma_wait3A_48 = arith.constant 0 : i32
        %dma_wait3A_49 = tpu.memref_slice %arg4[%add3A_27, %dma_wait3A_48] : memref<819200x128xf32, #tpu.memory_space<hbm>> -> memref<256x128xf32, #tpu.memory_space<hbm>>
        tpu.wait_dma2 semaphore(%run_scoped3A : memref<!tpu.dma_semaphore, #tpu.memory_space<semaphore_mem>>) src(%arg6 : memref<256x128xf32, #tpu.memory_space<vmem>>) dst(%dma_wait3A_49 : memref<256x128xf32, #tpu.memory_space<hbm>>)
        tpu.yield
      }) : () -> ()
      %add3A_28 = arith.constant 2 : i32
      %add3A_29 = arith.addi %add3A_15, %add3A_28 : i32
      %lt3A_30 = arith.constant 100 : i32
      %lt3A_31 = arith.cmpi slt, %add3A_29, %lt3A_30 : i32
      %convert_element_type3A_32 = arith.extui %lt3A_31 : i1 to i32
      %cond3A_33 = arith.constant 0 : i32
      %cond3A_34 = arith.cmpi ne, %convert_element_type3A_32, %cond3A_33 : i32
      scf.if %cond3A_34 {
        %add3A_42 = arith.constant 2 : i32
        %add3A_43 = arith.addi %add3A_15, %add3A_42 : i32
        %mul3A_44 = arith.constant 256 : i32
        %mul3A_45 = arith.muli %add3A_43, %mul3A_44 : i32
        %dma_start3A_46 = tpu.memref_slice %arg5[%mul3A_45] : memref<25600xi32, #tpu.memory_space<vmem>> -> memref<256xi32, #tpu.memory_space<vmem>>
        %dma_start3A_47 = arith.constant 0 : i32
        %dma_start3A_48 = arith.constant 0 : i32
        %dma_start3A_49 = tpu.memref_slice %arg2[%dma_start3A_47, %dma_start3A_48] : memref<1000000x128xf32, #tpu.memory_space<hbm>> -> memref<1000000x128xf32, #tpu.memory_space<hbm>>
        tpu.enqueue_indirect_dma source(%dma_start3A_49 : memref<1000000x128xf32, #tpu.memory_space<hbm>>) target(%arg6 : memref<256x128xf32, #tpu.memory_space<vmem>>) offsets(%dma_start3A_46 : memref<256xi32, #tpu.memory_space<vmem>>) semaphore(%arg8 : memref<!tpu.dma_semaphore, #tpu.memory_space<semaphore_mem>>)
      } else {
      }
      %add3A_35 = arith.constant 1 : i32
      %add3A_36 = arith.addi %add3A_15, %add3A_35 : i32
      %lt3A_37 = arith.constant 100 : i32
      %lt3A_38 = arith.cmpi slt, %add3A_36, %lt3A_37 : i32
      %convert_element_type3A_39 = arith.extui %lt3A_38 : i1 to i32
      %cond3A_40 = arith.constant 0 : i32
      %cond3A_41 = arith.cmpi ne, %convert_element_type3A_39, %cond3A_40 : i32
      scf.if %cond3A_41 {
        %add3A_42 = arith.constant 1 : i32
        %add3A_43 = arith.addi %add3A_15, %add3A_42 : i32
        %mul3A_44 = arith.constant 256 : i32
        %mul3A_45 = arith.muli %add3A_43, %mul3A_44 : i32
        %dma_wait3A_46 = tpu.memref_slice %arg5[%mul3A_45] : memref<25600xi32, #tpu.memory_space<vmem>> -> memref<256xi32, #tpu.memory_space<vmem>>
        %dma_wait3A_47 = arith.constant 0 : i32
        %dma_wait3A_48 = arith.constant 0 : i32
        %dma_wait3A_49 = tpu.memref_slice %arg2[%dma_wait3A_47, %dma_wait3A_48] : memref<1000000x128xf32, #tpu.memory_space<hbm>> -> memref<1000000x128xf32, #tpu.memory_space<hbm>>
        tpu.wait_indirect_dma semaphore(%arg9 : memref<!tpu.dma_semaphore, #tpu.memory_space<semaphore_mem>>) src(%dma_wait3A_49 : memref<1000000x128xf32, #tpu.memory_space<hbm>>) dst(%arg7 : memref<256x128xf32, #tpu.memory_space<vmem>>)
        %add3A_50 = arith.constant 1 : i32
        %add3A_51 = arith.addi %add3A_15, %add3A_50 : i32
        %mul3A_52 = arith.constant 256 : i32
        %mul3A_53 = arith.muli %add3A_51, %mul3A_52 : i32
        %add3A_54 = arith.addi %mul3A_2, %mul3A_53 : i32
        "tpu.region"() ({
          %run_scoped3A = tpu.sem_alloc : memref<!tpu.dma_semaphore, #tpu.memory_space<semaphore_mem>>
          %dma_start3A_55 = arith.constant 0 : i32
          %dma_start3A_56 = tpu.memref_slice %arg4[%add3A_54, %dma_start3A_55] : memref<819200x128xf32, #tpu.memory_space<hbm>> -> memref<256x128xf32, #tpu.memory_space<hbm>>
          %dma_start3A_57 = arith.constant 0 : i32
          %dma_start3A_58 = tpu.memref_slice %arg4[%add3A_54, %dma_start3A_57] : memref<819200x128xf32, #tpu.memory_space<hbm>> -> memref<256x128xf32, #tpu.memory_space<hbm>>
          tpu.enqueue_dma source(%arg7 : memref<256x128xf32, #tpu.memory_space<vmem>>) target(%dma_start3A_58 : memref<256x128xf32, #tpu.memory_space<hbm>>) target_semaphore(%run_scoped3A : memref<!tpu.dma_semaphore, #tpu.memory_space<semaphore_mem>>)
          %dma_wait3A_59 = arith.constant 0 : i32
          %dma_wait3A_60 = tpu.memref_slice %arg4[%add3A_54, %dma_wait3A_59] : memref<819200x128xf32, #tpu.memory_space<hbm>> -> memref<256x128xf32, #tpu.memory_space<hbm>>
          %dma_wait3A_61 = arith.constant 0 : i32
          %dma_wait3A_62 = tpu.memref_slice %arg4[%add3A_54, %dma_wait3A_61] : memref<819200x128xf32, #tpu.memory_space<hbm>> -> memref<256x128xf32, #tpu.memory_space<hbm>>
          tpu.wait_dma2 semaphore(%run_scoped3A : memref<!tpu.dma_semaphore, #tpu.memory_space<semaphore_mem>>) src(%arg7 : memref<256x128xf32, #tpu.memory_space<vmem>>) dst(%dma_wait3A_62 : memref<256x128xf32, #tpu.memory_space<hbm>>)
          tpu.yield
        }) : () -> ()
      } else {
      }
    }
    %scan3A_10 = arith.constant 50 : i32
    return
  }
}

module attributes {stable_mosaic.version = 14 : i64} {
  func.func @prep_kernel(%arg0: i32, %arg1: memref<64x8192xf32, #tpu.memory_space<vmem>>, %arg2: memref<64x64xf32, #tpu.memory_space<vmem>>, %arg3: memref<8192x128xf32, #tpu.memory_space<vmem>>) attributes {dimension_semantics = [#tpu.dimension_semantics<parallel>], iteration_bounds = array<i64: 123>, scalar_prefetch = 0 : i64, scratch_operands = 0 : i64, tpu.core_type = #tpu.core_type<tc>, window_params = [{transform_indices = @transform_0, window_bounds = array<i64: 64, 8192>}, {pipeline_mode = #tpu.pipeline_mode<synchronous>, transform_indices = @transform_1, window_bounds = array<i64: 64, 64>}, {transform_indices = @transform_2, window_bounds = array<i64: 8192, 128>}]} {
    %get3A = arith.constant 0 : index
    %get3A_0 = arith.constant 0 : index
    %get3A_1 = vector.load %arg1[%get3A, %get3A_0] : memref<64x8192xf32, #tpu.memory_space<vmem>>, vector<64x8192xf32>
    %get3A_2 = arith.constant 0 : index
    %get3A_3 = arith.constant 0 : index
    %get3A_4 = vector.load %arg2[%get3A_2, %get3A_3] : memref<64x64xf32, #tpu.memory_space<vmem>>, vector<64x64xf32>
    %dot_general3A = arith.constant dense<0.000000e+00> : vector<8192x64xf32>
    %dot_general3A_5 = tpu.matmul %get3A_1, %get3A_4, %dot_general3A {dimension_numbers = #tpu.dot_dimension_numbers<[0], [0], [1], [1], [0, 1, 1, 1], [], []>, transpose_lhs_hint = false} : vector<64x8192xf32>, vector<64x64xf32>, vector<8192x64xf32> -> vector<8192x64xf32>
    %swap3A = arith.constant 0 : index
    %swap3A_6 = arith.constant 0 : index
    %swap3A_7 = vector.load %arg3[%swap3A, %swap3A_6] : memref<8192x128xf32, #tpu.memory_space<vmem>>, vector<8192x64xf32>
    tpu.vector_store %arg3[%swap3A, %swap3A_6], %dot_general3A_5 {strides = array<i32>} : memref<8192x128xf32, #tpu.memory_space<vmem>>, vector<8192x64xf32>,
    return
  }
  func.func @transform_0(%arg0: i32) -> (i32, i32) {
    %c0_i32 = arith.constant 0 : i32
    %c0_i32_0 = arith.constant 0 : i32
    return %c0_i32, %arg0 : i32, i32
  }
  func.func @transform_1(%arg0: i32) -> (i32, i32) {
    %c0_i32 = arith.constant 0 : i32
    %c0_i32_0 = arith.constant 0 : i32
    %c0_i32_1 = arith.constant 0 : i32
    return %c0_i32, %c0_i32_0 : i32, i32
  }
  func.func @transform_2(%arg0: i32) -> (i32, i32) {
    %c0_i32 = arith.constant 0 : i32
    %c0_i32_0 = arith.constant 0 : i32
    return %arg0, %c0_i32 : i32, i32
  }
}

module attributes {stable_mosaic.version = 14 : i64} {
  func.func @mm_kernel(%arg0: i32, %arg1: memref<8192x128xf32, #tpu.memory_space<vmem>>, %arg2: memref<64x64xf32, #tpu.memory_space<vmem>>, %arg3: memref<64x1xf32, #tpu.memory_space<vmem>>, %arg4: memref<2x64x4096xf32, #tpu.memory_space<vmem>>) attributes {dimension_semantics = [#tpu.dimension_semantics<parallel>], iteration_bounds = array<i64: 100>, scalar_prefetch = 0 : i64, scratch_operands = 0 : i64, tpu.core_type = #tpu.core_type<tc>, window_params = [{transform_indices = @transform_0, window_bounds = array<i64: 8192, 128>}, {pipeline_mode = #tpu.pipeline_mode<synchronous>, transform_indices = @transform_1, window_bounds = array<i64: 64, 64>}, {pipeline_mode = #tpu.pipeline_mode<synchronous>, transform_indices = @transform_2, window_bounds = array<i64: 64, 1>}, {transform_indices = @transform_3, window_bounds = array<i64: 2, 64, 4096>}]} {
    %get3A = arith.constant 0 : index
    %get3A_0 = arith.constant 0 : index
    %get3A_1 = vector.load %arg1[%get3A, %get3A_0] : memref<8192x128xf32, #tpu.memory_space<vmem>>, vector<8192x64xf32>
    %get3A_2 = arith.constant 0 : index
    %get3A_3 = arith.constant 0 : index
    %get3A_4 = vector.load %arg3[%get3A_2, %get3A_3] : memref<64x1xf32, #tpu.memory_space<vmem>>, vector<64x1xf32>
    %slice3A = vector.extract_strided_slice %get3A_1 {offsets = [0, 0], sizes = [4096, 64], strides = [1, 1]} : vector<8192x64xf32> to vector<4096x64xf32>
    %get3A_5 = arith.constant 0 : index
    %get3A_6 = arith.constant 0 : index
    %get3A_7 = vector.load %arg2[%get3A_5, %get3A_6] : memref<64x64xf32, #tpu.memory_space<vmem>>, vector<64x64xf32>
    %dot_general3A = arith.constant dense<0.000000e+00> : vector<64x4096xf32>
    %dot_general3A_8 = tpu.matmul %get3A_7, %slice3A, %dot_general3A {dimension_numbers = #tpu.dot_dimension_numbers<[0], [1], [1], [0], [0, 1, 1, 0], [], []>, transpose_lhs_hint = false} : vector<64x64xf32>, vector<4096x64xf32>, vector<64x4096xf32> -> vector<64x4096xf32>
    %add3A = vector.broadcast %get3A_4 : vector<64x1xf32> to vector<64x4096xf32>
    %add3A_9 = arith.addf %dot_general3A_8, %add3A : vector<64x4096xf32>
    %swap3A = arith.constant 0 : index
    %swap3A_10 = arith.constant 0 : index
    %swap3A_11 = arith.constant 0 : index
    %swap3A_12 = vector.load %arg4[%swap3A, %swap3A_10, %swap3A_11] : memref<2x64x4096xf32, #tpu.memory_space<vmem>>, vector<1x64x4096xf32>
    %swap3A_13 = vector.shape_cast %swap3A_12 : vector<1x64x4096xf32> to vector<64x4096xf32>
    %swap3A_14 = vector.shape_cast %add3A_9 : vector<64x4096xf32> to vector<1x64x4096xf32>
    tpu.vector_store %arg4[%swap3A, %swap3A_10, %swap3A_11], %swap3A_14 {strides = array<i32>} : memref<2x64x4096xf32, #tpu.memory_space<vmem>>, vector<1x64x4096xf32>,
    %slice3A_15 = vector.extract_strided_slice %get3A_1 {offsets = [4096, 0], sizes = [4096, 64], strides = [1, 1]} : vector<8192x64xf32> to vector<4096x64xf32>
    %get3A_16 = arith.constant 0 : index
    %get3A_17 = arith.constant 0 : index
    %get3A_18 = vector.load %arg2[%get3A_16, %get3A_17] : memref<64x64xf32, #tpu.memory_space<vmem>>, vector<64x64xf32>
    %dot_general3A_19 = arith.constant dense<0.000000e+00> : vector<64x4096xf32>
    %dot_general3A_20 = tpu.matmul %get3A_18, %slice3A_15, %dot_general3A_19 {dimension_numbers = #tpu.dot_dimension_numbers<[0], [1], [1], [0], [0, 1, 1, 0], [], []>, transpose_lhs_hint = false} : vector<64x64xf32>, vector<4096x64xf32>, vector<64x4096xf32> -> vector<64x4096xf32>
    %add3A_21 = vector.broadcast %get3A_4 : vector<64x1xf32> to vector<64x4096xf32>
    %add3A_22 = arith.addf %dot_general3A_20, %add3A_21 : vector<64x4096xf32>
    %swap3A_23 = arith.constant 1 : index
    %swap3A_24 = arith.constant 0 : index
    %swap3A_25 = arith.constant 0 : index
    %swap3A_26 = vector.load %arg4[%swap3A_23, %swap3A_24, %swap3A_25] : memref<2x64x4096xf32, #tpu.memory_space<vmem>>, vector<1x64x4096xf32>
    %swap3A_27 = vector.shape_cast %swap3A_26 : vector<1x64x4096xf32> to vector<64x4096xf32>
    %swap3A_28 = vector.shape_cast %add3A_22 : vector<64x4096xf32> to vector<1x64x4096xf32>
    tpu.vector_store %arg4[%swap3A_23, %swap3A_24, %swap3A_25], %swap3A_28 {strides = array<i32>} : memref<2x64x4096xf32, #tpu.memory_space<vmem>>, vector<1x64x4096xf32>,
    return
  }
  func.func @transform_0(%arg0: i32) -> (i32, i32) {
    %c0_i32 = arith.constant 0 : i32
    %c0_i32_0 = arith.constant 0 : i32
    return %arg0, %c0_i32 : i32, i32
  }
  func.func @transform_1(%arg0: i32) -> (i32, i32) {
    %c0_i32 = arith.constant 0 : i32
    %c0_i32_0 = arith.constant 0 : i32
    %c0_i32_1 = arith.constant 0 : i32
    return %c0_i32, %c0_i32_0 : i32, i32
  }
  func.func @transform_2(%arg0: i32) -> (i32, i32) {
    %c0_i32 = arith.constant 0 : i32
    %c0_i32_0 = arith.constant 0 : i32
    %c0_i32_1 = arith.constant 0 : i32
    return %c0_i32, %c0_i32_0 : i32, i32
  }
  func.func @transform_3(%arg0: i32) -> (i32, i32, i32) {
    %add3A = arith.constant 0 : i32
    %add3A_0 = arith.addi %add3A, %arg0 : i32
    %c0_i32 = arith.constant 0 : i32
    %c0_i32_1 = arith.constant 0 : i32
    %c0_i32_2 = arith.constant 0 : i32
    return %add3A_0, %c0_i32, %c0_i32_1 : i32, i32, i32
  }
}

</mosaic_0001>

<sc_bundles>
// kernel: kernel.5.cloned.1.call-start
scs
__scs_entry_jumppad:
0x0: {  	(pc) =	sbr.rel $0x88, $3  }
0x1: {  	(tag) =	ssettag $0x0;
	lr =	simm.s32 $0x1  }
0x2: {  	[smem:$0x3F9D] =	sst lr;
	_ =	strace $0xD0000000  }
0x3: {  	_ = 	snop  }
0x4: {  	_ = 	snop  }
0x5: {  	_ = 	snop  }
0x6: {  	_ = 	snop  }
0x7: {  	_ = 	snop  }
__scs_overlays_trampoline_lowered:
0x8: {  	[smem:$0x3FAC] =	sst s0  }
0x9: {  	[smem:$0x3FAD] =	sst s1  }
0xa: {  	[smem:$0x3FAE] =	sst s2  }
0xb: {  	[smem:$0x3FAF] =	sst s3  }
0xc: {  	[smem:$0x3FB0] =	sst s4  }
0xd: {  	[smem:$0x3FB1] =	sst s5  }
0xe: {  	[smem:$0x3FB2] =	sst s6  }
0xf: {  	[smem:$0x3FB3] =	sst s7  }
0x10: {  	[smem:$0x3FB4] =	sst s8  }
0x11: {  	[smem:$0x3FB5] =	sst s9;
	s0 =	simm.s32 @!p0 $0x0  }
0x12: {  	s1 =	sld [smem:$0x3F9B];
	s0 =	simm.s32 @p0 $0x1  }
0x13: {  	[smem:$0x3FB6] =	sst s0;
	s0 =	simm.s32 @!p1 $0x0  }
0x14: {  	s2 =	sld [smem:$0x3F9A];
	s0 =	simm.s32 @p1 $0x1  }
0x15: {  	[smem:$0x3FB7] =	sst s0;
	s0 =	simm.s32 @!p2 $0x0  }
0x16: {  	s3 =	sld [smem:$0x3FDB];
	s0 =	simm.s32 @p2 $0x1  }
0x17: {  	s4 =	simm.s32 $0x1BF5;
	[smem:$0x3FB9] =	sst s0  }
0x18: {  	s0 =	sld [smem:$0x3F9C];
	_ =	swait.ge [sflag:s4], $0x0  }
0x19: {  	s7 =	sld [smem:$0x3F9D]  }
0x1a: {  	s8 =	sadd.s32 $0xFFFFE003, lr  }
0x1b: {  	s9 =	sadd.s32 $0xFFFFFEF7, lr;
	s5 =	simm.s32 $0xFFFFFFFF;
	p2 =	slt.u32 s8, $0xFFFFF086  }
0x1c: {  	p1 =	slt.u32 s9, $0xF7A;
	s5 =	simm.s32 @!p2 $0x0  }
0x1d: {  	s5 =	simm.s32 @p1 $0x1;
	p0 =	seq.s32 s7, s2  }
0x1e: {  	s7 =	smul.u32 @!p0 $0xF7A, s2;
	p2 =	seq.s32 @!p0 s5, $0x0  }
0x1f: {  	s9 =	smul.u32 $0xF7A, s1;
	s8 =	simm.s32 @!p0 $0x1BF5;
	p2 =	por !p2, p0  }
0x20: {  	[sflag:s8] =	ssyncset.s32 @!p0 $0xFFFFF086;
	s6 =	sadd.s32 @!p0 s3, s7;
	s7 =	simm.s32 @!p0 $0x108  }
0x21: {  	s3 =	sadd.s32 s3, s9;
	s6 =	sadd.s32 @!p0 $0x88, s6;
	s7 =	simm.s32 @p2 $0x1082  }
0x22: {  	[simem:s7], [sflag:s8] =	dma.local @!p0 [hbm:s6], $0xF7A  }
0x23: {  	s9 =	sor.u32 $0xD0000000, s2;
	s6 =	simm.s32 $0x108;
	_ =	swait.ge @!p0 [sflag:s8], $0x0  }
0x24: {  	s3 =	sadd.s32 $0x88, s3;
	s6 =	simm.s32 @!p1 $0x1082;
	[sflag:s4] =	ssyncset.s32 $0xFFFFF086  }
0x25: {  	[simem:s6], [sflag:s4] =	dma.local [hbm:s3], $0xF7A  }
0x26: {  	[smem:$0x3F9D] =	sst s1;
	(tag) =	ssettag s2;
	_ =	strace s9  }
0x27: {  	s1 =	sld [smem:$0x3FAD]  }
0x28: {  	s2 =	sld [smem:$0x3FAE]  }
0x29: {  	s4 =	sld [smem:$0x3FB0]  }
0x2a: {  	p0 =	seq.s32 s5, $0x0;
	s5 =	sld [smem:$0x3FB1]  }
0x2b: {  	s6 =	sld [smem:$0x3FB2]  }
0x2c: {  	s7 =	sld [smem:$0x3FB3]  }
0x2d: {  	s3 =	simm.s32 $0x108;
	s8 =	sld [smem:$0x3FB4]  }
0x2e: {  	s3 =	simm.s32 @!p0 $0x1082;
	s9 =	sld [smem:$0x3FB5]  }
0x2f: {  	lr =	sadd.s32 s0, s3;
	s0 =	sld [smem:$0x3FAC]  }
0x30: {  	s3 =	sld [smem:$0x3FAF]  }
0x31: {  	[smem:$0x3FB8] =	sst s10  }
0x32: {  	s10 =	sld [smem:$0x3FB6];
	_ =	sdelay $0x3  }
0x33: {  	p0 =	seq.s32 s10, $0x1;
	s10 =	sld [smem:$0x3FB8];
	_ =	sdelay $0x3  }
0x34: {  	[smem:$0x3FB8] =	sst s10  }
0x35: {  	s10 =	sld [smem:$0x3FB7];
	_ =	sdelay $0x3  }
0x36: {  	p1 =	seq.s32 s10, $0x1;
	s10 =	sld [smem:$0x3FB8];
	_ =	sdelay $0x3  }
0x37: {  	[smem:$0x3FB8] =	sst s10  }
0x38: {  	s10 =	sld [smem:$0x3FB9]  }
0x39: {  	_ = 	snop;
	(pc) =	sbr.ind lr, $3  }
0x3a: {  	_ = 	snop  }
0x3b: {  	_ = 	snop  }
0x3c: {  	p2 =	seq.s32 s10, $0x1;
	s10 =	sld [smem:$0x3FB8]  }
0x3d: {  	_ =	shalt  }
0x3e: {  	_ =	shalt  }
0x3f: {  	_ =	shalt  }
0x40: {  	_ =	shalt  }
0x41: {  	_ =	shalt  }
0x42: {  	_ =	shalt  }
0x43: {  	_ =	shalt  }
0x44: {  	_ =	shalt  }
0x45: {  	_ =	shalt  }
0x46: {  	_ =	shalt  }
0x47: {  	_ =	shalt  }
0x48: {  	_ =	shalt  }
0x49: {  	_ =	shalt  }
0x4a: {  	_ =	shalt  }
0x4b: {  	_ =	shalt  }
0x4c: {  	_ =	shalt  }
0x4d: {  	_ =	shalt  }
0x4e: {  	_ =	shalt  }
0x4f: {  	_ =	shalt  }
0x50: {  	_ =	shalt  }
0x51: {  	_ =	shalt  }
0x52: {  	_ =	shalt  }
0x53: {  	_ =	shalt  }
0x54: {  	_ =	shalt  }
0x55: {  	_ =	shalt  }
0x56: {  	_ =	shalt  }
0x57: {  	_ =	shalt  }
0x58: {  	_ =	shalt  }
0x59: {  	_ =	shalt  }
0x5a: {  	_ =	shalt  }
0x5b: {  	_ =	shalt  }
0x5c: {  	_ =	shalt  }
0x5d: {  	_ =	shalt  }
0x5e: {  	_ =	shalt  }
0x5f: {  	_ =	shalt  }
0x60: {  	_ =	shalt  }
0x61: {  	_ =	shalt  }
0x62: {  	_ =	shalt  }
0x63: {  	_ =	shalt  }
0x64: {  	_ =	shalt  }
0x65: {  	_ =	shalt  }
0x66: {  	_ =	shalt  }
0x67: {  	_ =	shalt  }
0x68: {  	_ =	shalt  }
0x69: {  	_ =	shalt  }
0x6a: {  	_ =	shalt  }
0x6b: {  	_ =	shalt  }
0x6c: {  	_ =	shalt  }
0x6d: {  	_ =	shalt  }
0x6e: {  	_ =	shalt  }
0x6f: {  	_ =	shalt  }
0x70: {  	_ =	shalt  }
0x71: {  	_ =	shalt  }
0x72: {  	_ =	shalt  }
0x73: {  	_ =	shalt  }
0x74: {  	_ =	shalt  }
0x75: {  	_ =	shalt  }
0x76: {  	_ =	shalt  }
0x77: {  	_ =	shalt  }
0x78: {  	_ =	shalt  }
0x79: {  	_ =	shalt  }
0x7a: {  	_ =	shalt  }
0x7b: {  	_ =	shalt  }
0x7c: {  	_ =	shalt  }
0x7d: {  	_ =	shalt  }
0x7e: {  	_ =	shalt  }
0x7f: {  	_ =	shalt  }
0x80: {  	_ =	shalt  }
0x81: {  	_ =	shalt  }
0x82: {  	_ =	shalt  }
0x83: {  	_ =	shalt  }
0x84: {  	_ =	shalt  }
0x85: {  	_ =	shalt  }
0x86: {  	_ =	shalt  }
0x87: {  	_ =	shalt  }
.Lfunc_end0:
.L_simem_size_0:
called_computation_lowered:
.L_overlay_start_0:
0x88: {  	s2 =	sld [smem:$0x3FD9]  }
0x89: {  	s3 =	sld [smem:$0x3FFE];
	_ =	sdelay $0x1  }
0x8a: {  	s1 =	srdreg.scid  }
0x8b: {  	s0 =	sand.u32 $0x1, s1  }
0x8c: {  	s17 =	sshll.u32 s0, $0xA;
	s2 =	sadd.s32 s3, s2  }
0x8d: {  	s2 =	sadd.s32 s2, s17  }
0x8e: {  	[smem:$0x3FC4] =	sst s2  }
0x8f: {  	_ = 	snop  }
0x90: {  	s2 =	sld [smem:$0x3FD0];
	(tm) =	ssettm $0x1  }
0x91: {  	s18 =	sld [smem:$0x3FFB];
	_ =	sdelay $0x3  }
0x92: {  	_ =	strace s18  }
0x93: {  	s3 =	sld [smem:$0x3FFC];
	_ =	sdelay $0x3  }
0x94: {  	_ =	strace s3  }
0x95: {  	s3 =	sld [smem:$0x3FFD];
	_ =	sdelay $0x3  }
0x96: {  	_ =	strace s3  }
0x97: {  	_ =	strace $0x8FFFFFFF  }
0x98: {  	s19 =	sld [smem:$0x3FDB];
	_ =	sdelay $0x1  }
0x99: {  	s4 =	simm.s32 $_scs_section_size  }
0x9a: {  	s5 =	simm.s32 $_size__tile_overlayer_lowered;
	s6 =	simm.s32 $_tile_overlayer_lowered  }
0x9b: {  	s22 =	simm.s32 $0x1BFF;
	s21 =	sshll.u32 s6, $0x1;
	s3 =	sadd.s32 s4, s19  }
0x9c: {  	s7 =	simm.s32 $0x0;
	s20 =	sshll.u32 s5, $0x1;
	s5 =	sadd.s32 s21, s3  }
0x9d: {  	[timem:s7], [sflag:s22] =	dma.local [hbm:s5], s20  }
0x9e: {  	_ =	swait.ge [sflag:s22], s20  }
0x9f: {  	s4 =	ssub.s32 $0x0, s20;
	[sflag:s22] =	ssyncset.done $0x0  }
0xa0: {  	[sflag:s22] =	ssyncadd.s32 s4;
	_ =	sdelay $0x1  }
0xa1: {  	s23 =	simm.s32 $0x1B8B  }
0xa2: {  	_ =	swait.ge [sflag:s23], $0x1  }
0xa3: {  	[sflag:s23] =	ssyncset.done $0x0  }
0xa4: {  	s25 =	simm.s32 $0x1B8E;
	s24 =	sld [smem:$0x3FFE];
	[sflag:s23] =	ssyncadd.s32 $0xFFFFFFFF  }
0xa5: {  	s26 =	simm.s32 $execute0_lowered;
	[smem:$0x3FD2] =	sst s25  }
0xa6: {  	s5 =	sshll.u32 s26, $0x1;
	_ =	strace $0x80000046;
	[dreg:$0x1] =	wrdreg $0xFFFFFFFF  }
0xa7: {  	s28 =	simm.s32 $_size_execute0_lowered;
	s3 =	sadd.s32 s3, s5;
	[dreg:$0x0] =	wrdreg $0x0  }
0xa8: {  	s5 =	sshll.u32 s28, $0x1;
	[dreg:$0x2] =	wrdreg s3  }
0xa9: {  	[dreg:$0x3] =	wrdreg s5  }
0xaa: {  	[dreg:$0x4] =	wrdreg $0xC0  }
0xab: {  	_ =	task [dreg:s7], $0x5FFFF  }
0xac: {  	[dreg:$0x1] =	wrdreg $0xFFFFFFFF  }
0xad: {  	[dreg:$0x0] =	wrdreg $0x60  }
0xae: {  	[dreg:$0x2] =	wrdreg s24  }
0xaf: {  	[dreg:$0x3] =	wrdreg s2  }
0xb0: {  	[dreg:$0x4] =	wrdreg $0x9  }
0xb1: {  	_ =	task.clear_ibuf [dreg:s7], $0x5FFFF;
	_ =	strace $0x90000046  }
0xb2: {  	s29 =	simm.s32 $0x9;
	_ =	strace $0x80000048  }
0xb3: {  	_ =	swait.ge [sflag:s29], $0x1  }
0xb4: {  	[sflag:s29] =	ssyncadd.s32 $0xFFFFFFFF  }
0xb5: {  	_ =	strace $0x90000048  }
0xb6: {  	_ =	sfence  }
0xb7: {  	s30 =	sld [smem:$0x0];
	_ =	sdelay $0x2  }
0xb8: {  	s31 =	sshll.u32 s1, $0xD;
	s1 =	sshrl.u32 s1, $0x2  }
0xb9: {  	s3 =	sand.u32 $0x4000, s31;
	s1 =	sadd.s32 s1, s30  }
0xba: {  	s0 =	sor.u32 s3, s0;
	s1 =	sshll.u32 s1, $0x11  }
0xbb: {  	s0 =	sor.u32 s1, s0  }
0xbc: {  	s0 =	sadd.s32 $0x8F2B, s0  }
0xbd: {  	[sflag:s0] =	ssyncadd.remote.s32 $0x1  }
0xbe: {  	_ =	sfence.sel $0xFFFF  }
0xbf: {  	[dreg:$0x0] =	wrdreg $0xFFFFFFFF;
	(pc) =	sbr.abs _section_cstart, $3  }
0xc0: {  	[dreg:$0x1] =	wrdreg $0xFFFFFFFF  }
0xc1: {  	_ =	task.clear_ibuf [dreg:s7], $0x2FFFF;
	_ =	strace $0x9FFFFFFF  }
0xc2: {  	(tm) =	ssettm $0x7FFFFFFF  }
0xc3: {  	_ =	shalt  }
tec
execute0_lowered:
.L_overlay_start_1:
0x0: {  	(tag) =	ssettag $0x1  }
0x1: {  	s1 =	srdreg.scid;
	s4 =	rddreg [dreg:$0x0]  }
0x2: {  	s0 =	stileid.u32;
	s6 =	rddreg [dreg:$0x1];
	s2 =	simm.s32 $0x0  }
0x3: {  	s13 =	simm.s32 $0xE400;
	s14 =	simm.s32 $0x1;
	s15 =	simm.s32 $0x4  }
0x4: {  	s16 =	simm.s32 $0x2;
	s17 =	simm.s32 $0x6300;
	s18 =	simm.s32 $0x0  }
0x5: {  	s3 =	sand.u32 $0x1, s1;
	s26 =	sshll.u32 s0, $0x1;
	s1 =	rddreg [dreg:$0x2]  }
0x6: {  	[smem:$0x7FF] =	sst s2;
	s9 =	smul.u32 $0x640000, s0;
	s12 =	sadd.s32 $0xF42C00, s4  }
0x7: {  	s5 =	sor.u32 s3, s26;
	s8 =	ssub.s32 $0x2, s3;
	s11 =	smul.u32 $0x320000, s3  }
0x8: {  	_ =	strace $0x80000047;
	s7 =	smul.u32 $0xC80, s5;
	s10 =	sshrl.u32 s8, $0x1  }
0x9: {  	s3 =	sadd.s32 $0x800, s4;
	s5 =	smul.u32 $0x320000, s5;
	s8 =	ssub.s32 s8, s10  }
0xa: {  	s29 =	sadd.s32 s11, s9;
	s10 =	simm.s32 $0x3;
	s11 =	simm.s32 $0x6400  }
0xb: {  	s4 =	sadd.s32 s6, s7;
	s28 =	sshrl.u32 s5, $0x3;
	s5 =	smax.u32 s8, $0x1  }
0xc: {  	s9 =	sor.u32 $0x8000, s29;
	s31 =	sshrl.u32 s29, $0x3;
	s30 =	sadd.s32 s12, s28  }
0xd: {  	s9 =	sshrl.u32 s9, $0x3;
	s8 =	sadd.s32 s31, s12;
	s6 =	sadd.s32 $0x62000, s30  }
0xe: {  	s7 =	sadd.s32 $0x63000, s30;
	s9 =	sadd.s32 s9, s12;
	s12 =	simm.s32 $0x100  }
.LBB2_1:
0xf: {  	[tilespmem:s2], [sflag:$0x3] =	stream.linear.gather [hbm4b:s4+s2], $0x6400, $0x38;
	[tilespmem:$0x16400] =	vst v63  }
0x10: {  	_ =	swait.ge [sflag:s10], $0x6400  }
0x11: {  	[sflag:s10] =	ssyncset.done $0x0  }
0x12: {  	[sflag:s10] =	ssyncadd.s32 $0xFFFF9C00  }
0x13: {  	[tilespmem:s11], [sflag:$0x1] =	stream.indirect.gather [hbm4b:s3+s12], $0x80, s2, s12, $0xb8;
	[tilespmem:$0x16400] =	vst v63  }
0x14: {  	_ = 	snop  }
0x15: {  	[tilespmem:s13], [sflag:$0x2] =	stream.indirect.gather [hbm4b:s3+s12], $0x80, s12, s12, $0xb8;
	[tilespmem:$0x16400] =	vst v63  }
0x16: {  	_ =	swait.ge [sflag:s14], $0x8000  }
0x17: {  	[sflag:s14] =	ssyncset.done $0x0  }
0x18: {  	s19 =	sadd.s32 $0x0, s8;
	[sflag:s14] =	ssyncadd.s32 $0xFFFF8000  }
0x19: {  	[hbm4b:s19+s2] =	stream.linear.scatter [tilespmem:s11], [sflag:$0x4], $0x8000, $0x38;
	[tilespmem:$0x16400] =	vst v63  }
0x1a: {  	_ =	swait.ge [sflag:s15], $0x8000  }
0x1b: {  	[sflag:s15] =	ssyncset.done $0x0  }
0x1c: {  	s30 =	simm.s32 $0x200;
	[sflag:s15] =	ssyncadd.s32 $0xFFFF8000  }
0x1d: {  	[tilespmem:s11], [sflag:$0x1] =	stream.indirect.gather [hbm4b:s3+s12], $0x80, s30, s12, $0xb8;
	[tilespmem:$0x16400] =	vst v63  }
0x1e: {  	_ =	swait.ge [sflag:s16], $0x8000  }
0x1f: {  	[sflag:s16] =	ssyncset.done $0x0  }
0x20: {  	s31 =	sadd.s32 $0x0, s9;
	[sflag:s16] =	ssyncadd.s32 $0xFFFF8000  }
0x21: {  	[hbm4b:s31+s2] =	stream.linear.scatter [tilespmem:s13], [sflag:$0x3], $0x8000, $0x38;
	[tilespmem:$0x16400] =	vst v63  }
0x22: {  	_ =	swait.ge [sflag:s10], $0x8000  }
0x23: {  	s20 =	simm.s32 $0x100;
	s19 =	simm.s32 $0x2000;
	[sflag:s10] =	ssyncset.done $0x0  }
.LBB2_2:
0x24: {  	p0 =	sne.s32 s19, $0x60000;
	[sflag:s10] =	ssyncadd.s32 $0xFFFF8000;
	s20 =	sadd.s32 $0x200, s20  }
0x25: {  	[tilespmem:s13], [sflag:$0x2] =	stream.indirect.gather [hbm4b:s3+s12], $0x80, s20, s12, $0xb8;
	[tilespmem:$0x16400] =	vst v63  }
0x26: {  	s21 =	smov.u32 s19;
	s19 =	sadd.s32 $0x2000, s19;
	_ =	swait.ge [sflag:s14], $0x8000  }
0x27: {  	[sflag:s14] =	ssyncset.done $0x0  }
0x28: {  	s22 =	sadd.s32 s21, s8;
	[sflag:s14] =	ssyncadd.s32 $0xFFFF8000  }
0x29: {  	[hbm4b:s22+s2] =	stream.linear.scatter [tilespmem:s11], [sflag:$0x4], $0x8000, $0x38;
	[tilespmem:$0x16400] =	vst v63  }
0x2a: {  	_ =	swait.ge [sflag:s15], $0x8000  }
0x2b: {  	[sflag:s15] =	ssyncset.done $0x0  }
0x2c: {  	s22 =	sadd.s32 $0x100, s20;
	[sflag:s15] =	ssyncadd.s32 $0xFFFF8000  }
0x2d: {  	[tilespmem:s11], [sflag:$0x1] =	stream.indirect.gather [hbm4b:s3+s12], $0x80, s22, s12, $0xb8;
	[tilespmem:$0x16400] =	vst v63  }
0x2e: {  	_ =	swait.ge [sflag:s16], $0x8000  }
.Ltmp0:
0x2f: {  	[sflag:s16] =	ssyncset.done $0x0;
	(pc) =	sbr.rel @p0 .LBB2_2-.Ltmp0, $4  }
0x30: {  	s21 =	sadd.s32 s21, s9;
	[sflag:s16] =	ssyncadd.s32 $0xFFFF8000  }
0x31: {  	[hbm4b:s21+s2] =	stream.linear.scatter [tilespmem:s13], [sflag:$0x3], $0x8000, $0x38;
	[tilespmem:$0x16400] =	vst v63  }
0x32: {  	_ =	swait.ge [sflag:s10], $0x8000  }
0x33: {  	[sflag:s10] =	ssyncset.done $0x0  }
0x34: {  	[sflag:s10] =	ssyncadd.s32 $0xFFFF8000  }
0x35: {  	[tilespmem:s13], [sflag:$0x2] =	stream.indirect.gather [hbm4b:s3+s12], $0x80, s17, s12, $0xb8;
	[tilespmem:$0x16400] =	vst v63  }
0x36: {  	_ =	swait.ge [sflag:s14], $0x8000  }
0x37: {  	[sflag:s14] =	ssyncset.done $0x0  }
0x38: {  	[sflag:s14] =	ssyncadd.s32 $0xFFFF8000  }
0x39: {  	[hbm4b:s6+s2] =	stream.linear.scatter [tilespmem:s11], [sflag:$0x4], $0x8000, $0x38;
	[tilespmem:$0x16400] =	vst v63  }
0x3a: {  	_ =	swait.ge [sflag:s15], $0x8000  }
0x3b: {  	[sflag:s15] =	ssyncset.done $0x0  }
0x3c: {  	[sflag:s15] =	ssyncadd.s32 $0xFFFF8000  }
0x3d: {  	s18 =	sadd.s32 $0x1, s18;
	_ =	swait.ge [sflag:s16], $0x8000  }
0x3e: {  	p0 =	sne.s32 s18, s5;
	[sflag:s16] =	ssyncset.done $0x0  }
.Ltmp1:
0x3f: {  	[sflag:s16] =	ssyncadd.s32 $0xFFFF8000;
	(pc) =	sbr.rel @p0 .LBB2_1-.Ltmp1, $4  }
0x40: {  	[hbm4b:s7+s2] =	stream.linear.scatter [tilespmem:s13], [sflag:$0x3], $0x8000, $0x38;
	[tilespmem:$0x16400] =	vst v63  }
0x41: {  	_ =	swait.ge [sflag:s10], $0x8000  }
0x42: {  	[sflag:s10] =	ssyncset.done $0x0  }
0x43: {  	[sflag:s10] =	ssyncadd.s32 $0xFFFF8000  }
0x44: {  	_ =	sfence.sel $0x180000  }
0x45: {  	[bflag:$0x0] =	sbarrier.arrive $0xFFFF  }
0x46: {  	p0 =	sne.s32 s0, $0x0;
	_ =	strace $0x90000047  }
0x47: {  	s0 =	sadd.s32 @!p0 $0x100000, s1;
	[bflag:$0x2] =	sbarrier.arrive $0xFFFF  }
0x48: {  	[sflag:s0] =	ssyncadd.tile.s32 @!p0 $0x1;
	_ =	shalt  }
.Lfunc_end2:
_tile_overlayer_lowered:
.L_overlay_start_2:
0x49: {  	(tag) =	ssettag $0x2  }
0x4a: {  	s0 =	rddreg [dreg:$0x0];
	s2 =	stileid.u32  }
0x4b: {  	s1 =	rddreg [dreg:$0x1];
	p0 =	sne.s32 s2, $0x0  }
0x4c: {  	s3 =	rddreg [dreg:$0x2];
	[bflag:$0x3] =	sbarrier.arrive $0xFFFF;
	s2 =	simm.s32 @!p0 $0x1C03  }
0x4d: {  	[timem:s3], [sflag:s2] =	dma.local @!p0 [hbm:s0], s1  }
0x4e: {  	s0 =	simm.s32 @!p0 $0x3  }
0x4f: {  	_ =	swait.ge @!p0 [sflag:s0], s1  }
0x50: {  	s1 =	ssub.s32 @!p0 $0x0, s1;
	[sflag:s0] =	ssyncset.done @!p0 $0x0  }
0x51: {  	[sflag:s0] =	ssyncadd.s32 @!p0 s1  }
0x52: {  	[bflag:$0x3] =	sbarrier.arrive $0xFFFF  }
0x53: {  	_ =	shalt  }

</sc_bundles>
